<compile_context>
chip_gen: v7x
topology: tpu7x:2x2x1
jax: 0.10.2.dev20260603
libtpu: 0.0.44.dev20260713+nightly
codegen_flags: <defaults>
</compile_context>

<pallas_src>
import functools

import jax
import jax.numpy as jnp
from jax import lax
from jax.experimental import pallas as pl
from jax.experimental.pallas import tpu as pltpu
from jax.experimental.pallas import tpu_sc as plsc

_TOKENS = 16384
_PATHS = 64
_NC = 2
_NS = 16
_NW = _NC * _NS
_ROWS_PER_W = _TOKENS // _NW

_mesh = plsc.VectorSubcoreMesh(core_axis_name="c", subcore_axis_name="s")


@functools.partial(
    pl.kernel,
    mesh=_mesh,
    out_type=jax.ShapeDtypeStruct((_TOKENS, _PATHS), jnp.int32),
    scratch_types=[
        pltpu.VMEM((_ROWS_PER_W, _PATHS), jnp.float32),
        pltpu.VMEM((_ROWS_PER_W, _PATHS), jnp.int32),
    ],
    compiler_params=pltpu.CompilerParams(needs_layout_passes=False),
)
def _sc_kernel(score_hbm, out_hbm, in_v, out_v):
    wid = lax.axis_index("s") * _NC + lax.axis_index("c")
    base = wid * _ROWS_PER_W
    pltpu.sync_copy(score_hbm.at[pl.ds(base, 8)], in_v.at[pl.ds(0, 8)])

    lane = lax.iota(jnp.int32, 16)
    lane0 = lane == 0
    ones = jnp.ones((16,), jnp.int32)
    zeros = jnp.zeros((16,), jnp.int32)

    def body(r, carry):
        vals = [in_v[r, pl.ds(g * 16, 16)] for g in range(4)]
        ps = [v > 0.0 for v in vals]
        vm = jnp.maximum(
            jnp.maximum(vals[0], vals[1]), jnp.maximum(vals[2], vals[3])
        )
        rmax = lax.reduce_max_p.bind(vm, axes=(0,))
        resid = (rmax <= 0.0) & lane0
        out_v[r, pl.ds(0, 16)] = (
            jnp.where(ps[0], ones, zeros) + jnp.where(resid, ones, zeros)
        )
        for g in range(1, 4):
            out_v[r, pl.ds(g * 16, 16)] = jnp.where(ps[g], ones, zeros)
        return carry

    lax.fori_loop(0, 8, body, jnp.int32(0))

    pltpu.sync_copy(out_v.at[pl.ds(0, 8)], out_hbm.at[pl.ds(base, 8)])


def kernel(score):
    return _sc_kernel(score)

# --- scband reference (transcript-rebuilt; emitter-appended) ---
"""Pipeline reference for scband-threshold-protocol-48644799595103 (READ-ONLY COPY).

The authoritative reference and input builder live on the scoring server;
editing this copy changes nothing except your own understanding.
"""

import jax, jax.numpy as jnp
import numpy as np

PATH_NUM = 64
THRESHOLD = 0.0
RESIDUAL_PATH = 0
TOKENS = 16384


def setup_inputs(seed: int = 0) -> dict:
    key = jax.random.key(seed)
    score = jax.random.normal(key, (TOKENS, PATH_NUM), dtype=jnp.float32)
    return {"score": score}


def reference(score):
    # hot_mask = (score > threshold).long()
    hot_mask = (score > THRESHOLD).astype(jnp.int64)
    if RESIDUAL_PATH >= 0:
        # residual_indices = (hot_mask.sum(dim=1, keepdim=True) == 0).long()
        residual_indices = (hot_mask.sum(axis=1, keepdims=True) == 0).astype(jnp.int64)
        # torch.scatter_add(hot_mask, 1, full(residual_path), residual_indices)
        # -> add residual_indices[:, 0] into column RESIDUAL_PATH
        hot_mask = hot_mask.at[:, RESIDUAL_PATH].add(residual_indices[:, 0])
    return hot_mask

if __name__ == "__main__":
    import jax
    _d = setup_inputs()
    print(jax.jit(kernel)(*tuple(_d.values())))

</pallas_src>

<mosaic_0001>
#map = affine_map<(d0, d1) -> (0, 0)>
module attributes {stable_mosaic.version = 14 : i64} {
  func.func @_sc_kernel(%arg0: i32, %arg1: i32, %arg2: memref<16384x64xf32, #tpu.memory_space<hbm>>, %arg3: memref<16384x64xi32, #tpu.memory_space<hbm>>, %arg4: memref<512x64xf32, #tpu.memory_space<vmem>>, %arg5: memref<512x64xi32, #tpu.memory_space<vmem>>) attributes {dimension_semantics = [#tpu.dimension_semantics<core_parallel>, #tpu.dimension_semantics<subcore_parallel>], iteration_bounds = array<i64: 2, 16>, scalar_prefetch = 0 : i64, scratch_operands = 2 : i64, tpu.core_type = #tpu.core_type<sc_vector_subcore>, window_params = [{transform_indices = #map}, {transform_indices = #map}]} {
    %mul3A = arith.constant 2 : i32
    %mul3A_0 = arith.muli %arg1, %mul3A : i32
    %add3A = arith.addi %mul3A_0, %arg0 : i32
    %mul3A_1 = arith.constant 512 : i32
    %mul3A_2 = arith.muli %add3A, %mul3A_1 : i32
    "tpu.region"() ({
      %run_scoped3A = tpu.sem_alloc : memref<!tpu.dma_semaphore, #tpu.memory_space<semaphore_mem>>
      %dma_start3A = arith.constant 0 : i32
      %dma_start3A_13 = arith.constant 0 : i32
      %dma_start3A_14 = tpu.memref_slice %arg4[%dma_start3A, %dma_start3A_13] : memref<512x64xf32, #tpu.memory_space<vmem>> -> memref<8x64xf32, #tpu.memory_space<vmem>>
      %dma_start3A_15 = arith.constant 0 : i32
      %dma_start3A_16 = tpu.memref_slice %arg2[%mul3A_2, %dma_start3A_15] : memref<16384x64xf32, #tpu.memory_space<hbm>> -> memref<8x64xf32, #tpu.memory_space<hbm>>
      %dma_start3A_17 = arith.constant 0 : i32
      %dma_start3A_18 = arith.constant 0 : i32
      %dma_start3A_19 = tpu.memref_slice %arg4[%dma_start3A_17, %dma_start3A_18] : memref<512x64xf32, #tpu.memory_space<vmem>> -> memref<8x64xf32, #tpu.memory_space<vmem>>
      %dma_start3A_20 = arith.constant 0 : i32
      %dma_start3A_21 = tpu.memref_slice %arg2[%mul3A_2, %dma_start3A_20] : memref<16384x64xf32, #tpu.memory_space<hbm>> -> memref<8x64xf32, #tpu.memory_space<hbm>>
      tpu.enqueue_dma source(%dma_start3A_21 : memref<8x64xf32, #tpu.memory_space<hbm>>) target(%dma_start3A_19 : memref<8x64xf32, #tpu.memory_space<vmem>>) target_semaphore(%run_scoped3A : memref<!tpu.dma_semaphore, #tpu.memory_space<semaphore_mem>>)
      %dma_wait3A = arith.constant 0 : i32
      %dma_wait3A_22 = arith.constant 0 : i32
      %dma_wait3A_23 = tpu.memref_slice %arg4[%dma_wait3A, %dma_wait3A_22] : memref<512x64xf32, #tpu.memory_space<vmem>> -> memref<8x64xf32, #tpu.memory_space<vmem>>
      %dma_wait3A_24 = arith.constant 0 : i32
      %dma_wait3A_25 = tpu.memref_slice %arg2[%mul3A_2, %dma_wait3A_24] : memref<16384x64xf32, #tpu.memory_space<hbm>> -> memref<8x64xf32, #tpu.memory_space<hbm>>
      %dma_wait3A_26 = arith.constant 0 : i32
      %dma_wait3A_27 = arith.constant 0 : i32
      %dma_wait3A_28 = tpu.memref_slice %arg4[%dma_wait3A_26, %dma_wait3A_27] : memref<512x64xf32, #tpu.memory_space<vmem>> -> memref<8x64xf32, #tpu.memory_space<vmem>>
      %dma_wait3A_29 = arith.constant 0 : i32
      %dma_wait3A_30 = tpu.memref_slice %arg2[%mul3A_2, %dma_wait3A_29] : memref<16384x64xf32, #tpu.memory_space<hbm>> -> memref<8x64xf32, #tpu.memory_space<hbm>>
      tpu.wait_dma2 semaphore(%run_scoped3A : memref<!tpu.dma_semaphore, #tpu.memory_space<semaphore_mem>>) src(%dma_wait3A_30 : memref<8x64xf32, #tpu.memory_space<hbm>>) dst(%dma_wait3A_28 : memref<8x64xf32, #tpu.memory_space<vmem>>)
      tpu.yield
    }) : () -> ()
    %iota3A = tpu.iota {dimensions = array<i32: 0>} : vector<16xi32>
    %eq3A = arith.constant 0 : i32
    %eq3A_3 = vector.broadcast %eq3A : i32 to vector<16xi32>
    %eq3A_4 = arith.cmpi eq, %iota3A, %eq3A_3 : vector<16xi32>
    %broadcast_in_dim3A = arith.constant 1 : i32
    %broadcast_in_dim3A_5 = vector.broadcast %broadcast_in_dim3A : i32 to vector<16xi32>
    %broadcast_in_dim3A_6 = arith.constant 0 : i32
    %broadcast_in_dim3A_7 = vector.broadcast %broadcast_in_dim3A_6 : i32 to vector<16xi32>
    %scan3A = arith.constant 0 : i32
    %scan3A_8 = arith.constant 0 : i32
    %scan3A_9 = arith.constant 8 : i32
    %scan3A_10 = arith.addi %scan3A_8, %scan3A_9 : i32
    %scan3A_11 = arith.constant 1 : i32
    scf.for %scan3A_13 = %scan3A_8 to %scan3A_10 step %scan3A_11  : i32 {
      %get3A = arith.index_cast %scan3A_13 : i32 to index
      %get3A_14 = arith.constant 0 : index
      %get3A_15 = tpu.vector_load %arg4[%get3A, %get3A_14] {strides = array<i32>} : memref<512x64xf32, #tpu.memory_space<vmem>>, vector<16xf32>,
      %get3A_16 = arith.index_cast %scan3A_13 : i32 to index
      %get3A_17 = arith.constant 16 : index
      %get3A_18 = tpu.vector_load %arg4[%get3A_16, %get3A_17] {strides = array<i32>} : memref<512x64xf32, #tpu.memory_space<vmem>>, vector<16xf32>,
      %get3A_19 = arith.index_cast %scan3A_13 : i32 to index
      %get3A_20 = arith.constant 32 : index
      %get3A_21 = tpu.vector_load %arg4[%get3A_19, %get3A_20] {strides = array<i32>} : memref<512x64xf32, #tpu.memory_space<vmem>>, vector<16xf32>,
      %get3A_22 = arith.index_cast %scan3A_13 : i32 to index
      %get3A_23 = arith.constant 48 : index
      %get3A_24 = tpu.vector_load %arg4[%get3A_22, %get3A_23] {strides = array<i32>} : memref<512x64xf32, #tpu.memory_space<vmem>>, vector<16xf32>,
      %gt3A = arith.constant 0.000000e+00 : f32
      %gt3A_25 = vector.broadcast %gt3A : f32 to vector<16xf32>
      %gt3A_26 = arith.cmpf ogt, %get3A_15, %gt3A_25 : vector<16xf32>
      %gt3A_27 = arith.constant 0.000000e+00 : f32
      %gt3A_28 = vector.broadcast %gt3A_27 : f32 to vector<16xf32>
      %gt3A_29 = arith.cmpf ogt, %get3A_18, %gt3A_28 : vector<16xf32>
      %gt3A_30 = arith.constant 0.000000e+00 : f32
      %gt3A_31 = vector.broadcast %gt3A_30 : f32 to vector<16xf32>
      %gt3A_32 = arith.cmpf ogt, %get3A_21, %gt3A_31 : vector<16xf32>
      %gt3A_33 = arith.constant 0.000000e+00 : f32
      %gt3A_34 = vector.broadcast %gt3A_33 : f32 to vector<16xf32>
      %gt3A_35 = arith.cmpf ogt, %get3A_24, %gt3A_34 : vector<16xf32>
      %max3A = arith.maximumf %get3A_15, %get3A_18 : vector<16xf32>
      %max3A_36 = arith.maximumf %get3A_21, %get3A_24 : vector<16xf32>
      %max3A_37 = arith.maximumf %max3A, %max3A_36 : vector<16xf32>
      %reduce_max3A = arith.constant true
      %reduce_max3A_38 = vector.broadcast %reduce_max3A : i1 to vector<16xi1>
      %reduce_max3A_39 = tpu.scan <max>, %max3A_37 masked %reduce_max3A_38 : vector<16xf32>, vector<16xi1> -> vector<16xf32>
      %reduce_max3A_40 = vector.extract %reduce_max3A_39[15] : f32 from vector<16xf32>
      %le3A = arith.constant 0.000000e+00 : f32
      %le3A_41 = arith.cmpf ole, %reduce_max3A_40, %le3A : f32
      %and3A = vector.broadcast %le3A_41 : i1 to vector<16xi1>
      %and3A_42 = arith.andi %and3A, %eq3A_4 : vector<16xi1>
      %select_n3A = arith.select %gt3A_26, %broadcast_in_dim3A_5, %broadcast_in_dim3A_7 : vector<16xi1>, vector<16xi32>
      %select_n3A_43 = arith.select %and3A_42, %broadcast_in_dim3A_5, %broadcast_in_dim3A_7 : vector<16xi1>, vector<16xi32>
      %add3A_44 = arith.addi %select_n3A, %select_n3A_43 : vector<16xi32>
      %swap3A = arith.index_cast %scan3A_13 : i32 to index
      %swap3A_45 = arith.constant 0 : index
      %swap3A_46 = tpu.vector_load %arg5[%swap3A, %swap3A_45] {strides = array<i32>} : memref<512x64xi32, #tpu.memory_space<vmem>>, vector<16xi32>,
      tpu.vector_store %arg5[%swap3A, %swap3A_45], %add3A_44 {strides = array<i32>} : memref<512x64xi32, #tpu.memory_space<vmem>>, vector<16xi32>,
      %select_n3A_47 = arith.select %gt3A_29, %broadcast_in_dim3A_5, %broadcast_in_dim3A_7 : vector<16xi1>, vector<16xi32>
      %swap3A_48 = arith.index_cast %scan3A_13 : i32 to index
      %swap3A_49 = arith.constant 16 : index
      %swap3A_50 = tpu.vector_load %arg5[%swap3A_48, %swap3A_49] {strides = array<i32>} : memref<512x64xi32, #tpu.memory_space<vmem>>, vector<16xi32>,
      tpu.vector_store %arg5[%swap3A_48, %swap3A_49], %select_n3A_47 {strides = array<i32>} : memref<512x64xi32, #tpu.memory_space<vmem>>, vector<16xi32>,
      %select_n3A_51 = arith.select %gt3A_32, %broadcast_in_dim3A_5, %broadcast_in_dim3A_7 : vector<16xi1>, vector<16xi32>
      %swap3A_52 = arith.index_cast %scan3A_13 : i32 to index
      %swap3A_53 = arith.constant 32 : index
      %swap3A_54 = tpu.vector_load %arg5[%swap3A_52, %swap3A_53] {strides = array<i32>} : memref<512x64xi32, #tpu.memory_space<vmem>>, vector<16xi32>,
      tpu.vector_store %arg5[%swap3A_52, %swap3A_53], %select_n3A_51 {strides = array<i32>} : memref<512x64xi32, #tpu.memory_space<vmem>>, vector<16xi32>,
      %select_n3A_55 = arith.select %gt3A_35, %broadcast_in_dim3A_5, %broadcast_in_dim3A_7 : vector<16xi1>, vector<16xi32>
      %swap3A_56 = arith.index_cast %scan3A_13 : i32 to index
      %swap3A_57 = arith.constant 48 : index
      %swap3A_58 = tpu.vector_load %arg5[%swap3A_56, %swap3A_57] {strides = array<i32>} : memref<512x64xi32, #tpu.memory_space<vmem>>, vector<16xi32>,
      tpu.vector_store %arg5[%swap3A_56, %swap3A_57], %select_n3A_55 {strides = array<i32>} : memref<512x64xi32, #tpu.memory_space<vmem>>, vector<16xi32>,
    }
    %scan3A_12 = arith.constant 8 : i32
    "tpu.region"() ({
      %run_scoped3A = tpu.sem_alloc : memref<!tpu.dma_semaphore, #tpu.memory_space<semaphore_mem>>
      %dma_start3A = arith.constant 0 : i32
      %dma_start3A_13 = arith.constant 0 : i32
      %dma_start3A_14 = tpu.memref_slice %arg5[%dma_start3A, %dma_start3A_13] : memref<512x64xi32, #tpu.memory_space<vmem>> -> memref<8x64xi32, #tpu.memory_space<vmem>>
      %dma_start3A_15 = arith.constant 0 : i32
      %dma_start3A_16 = tpu.memref_slice %arg3[%mul3A_2, %dma_start3A_15] : memref<16384x64xi32, #tpu.memory_space<hbm>> -> memref<8x64xi32, #tpu.memory_space<hbm>>
      %dma_start3A_17 = arith.constant 0 : i32
      %dma_start3A_18 = tpu.memref_slice %arg3[%mul3A_2, %dma_start3A_17] : memref<16384x64xi32, #tpu.memory_space<hbm>> -> memref<8x64xi32, #tpu.memory_space<hbm>>
      %dma_start3A_19 = arith.constant 0 : i32
      %dma_start3A_20 = arith.constant 0 : i32
      %dma_start3A_21 = tpu.memref_slice %arg5[%dma_start3A_19, %dma_start3A_20] : memref<512x64xi32, #tpu.memory_space<vmem>> -> memref<8x64xi32, #tpu.memory_space<vmem>>
      tpu.enqueue_dma source(%dma_start3A_21 : memref<8x64xi32, #tpu.memory_space<vmem>>) target(%dma_start3A_18 : memref<8x64xi32, #tpu.memory_space<hbm>>) target_semaphore(%run_scoped3A : memref<!tpu.dma_semaphore, #tpu.memory_space<semaphore_mem>>)
      %dma_wait3A = arith.constant 0 : i32
      %dma_wait3A_22 = arith.constant 0 : i32
      %dma_wait3A_23 = tpu.memref_slice %arg5[%dma_wait3A, %dma_wait3A_22] : memref<512x64xi32, #tpu.memory_space<vmem>> -> memref<8x64xi32, #tpu.memory_space<vmem>>
      %dma_wait3A_24 = arith.constant 0 : i32
      %dma_wait3A_25 = tpu.memref_slice %arg3[%mul3A_2, %dma_wait3A_24] : memref<16384x64xi32, #tpu.memory_space<hbm>> -> memref<8x64xi32, #tpu.memory_space<hbm>>
      %dma_wait3A_26 = arith.constant 0 : i32
      %dma_wait3A_27 = tpu.memref_slice %arg3[%mul3A_2, %dma_wait3A_26] : memref<16384x64xi32, #tpu.memory_space<hbm>> -> memref<8x64xi32, #tpu.memory_space<hbm>>
      %dma_wait3A_28 = arith.constant 0 : i32
      %dma_wait3A_29 = arith.constant 0 : i32
      %dma_wait3A_30 = tpu.memref_slice %arg5[%dma_wait3A_28, %dma_wait3A_29] : memref<512x64xi32, #tpu.memory_space<vmem>> -> memref<8x64xi32, #tpu.memory_space<vmem>>
      tpu.wait_dma2 semaphore(%run_scoped3A : memref<!tpu.dma_semaphore, #tpu.memory_space<semaphore_mem>>) src(%dma_wait3A_30 : memref<8x64xi32, #tpu.memory_space<vmem>>) dst(%dma_wait3A_27 : memref<8x64xi32, #tpu.memory_space<hbm>>)
      tpu.yield
    }) : () -> ()
    return
  }
}

</mosaic_0001>

<sc_bundles>
// kernel: kernel.3.cloned.1.call-start
scs
__scs_entry_jumppad:
0x0: {  	(pc) =	sbr.rel $0x88, $3  }
0x1: {  	(tag) =	ssettag $0x0;
	lr =	simm.s32 $0x1  }
0x2: {  	[smem:$0x3FA0] =	sst lr;
	_ =	strace $0xD0000000  }
0x3: {  	_ = 	snop  }
0x4: {  	_ = 	snop  }
0x5: {  	_ = 	snop  }
0x6: {  	_ = 	snop  }
0x7: {  	_ = 	snop  }
__scs_overlays_trampoline_lowered:
0x8: {  	[smem:$0x3FAF] =	sst s0  }
0x9: {  	[smem:$0x3FB0] =	sst s1  }
0xa: {  	[smem:$0x3FB1] =	sst s2  }
0xb: {  	[smem:$0x3FB2] =	sst s3  }
0xc: {  	[smem:$0x3FB3] =	sst s4  }
0xd: {  	[smem:$0x3FB4] =	sst s5  }
0xe: {  	[smem:$0x3FB5] =	sst s6  }
0xf: {  	[smem:$0x3FB6] =	sst s7  }
0x10: {  	[smem:$0x3FB7] =	sst s8  }
0x11: {  	[smem:$0x3FB8] =	sst s9;
	s0 =	simm.s32 @!p0 $0x0  }
0x12: {  	s1 =	sld [smem:$0x3F9E];
	s0 =	simm.s32 @p0 $0x1  }
0x13: {  	[smem:$0x3FB9] =	sst s0;
	s0 =	simm.s32 @!p1 $0x0  }
0x14: {  	s2 =	sld [smem:$0x3F9D];
	s0 =	simm.s32 @p1 $0x1  }
0x15: {  	[smem:$0x3FBA] =	sst s0;
	s0 =	simm.s32 @!p2 $0x0  }
0x16: {  	s3 =	sld [smem:$0x3FDB];
	s0 =	simm.s32 @p2 $0x1  }
0x17: {  	s4 =	simm.s32 $0x1BF5;
	[smem:$0x3FBC] =	sst s0  }
0x18: {  	s0 =	sld [smem:$0x3F9F];
	_ =	swait.ge [sflag:s4], $0x0  }
0x19: {  	s7 =	sld [smem:$0x3FA0]  }
0x1a: {  	s8 =	sadd.s32 $0xFFFFE003, lr  }
0x1b: {  	s9 =	sadd.s32 $0xFFFFFEF7, lr;
	s5 =	simm.s32 $0xFFFFFFFF;
	p2 =	slt.u32 s8, $0xFFFFF086  }
0x1c: {  	p1 =	slt.u32 s9, $0xF7A;
	s5 =	simm.s32 @!p2 $0x0  }
0x1d: {  	s5 =	simm.s32 @p1 $0x1;
	p0 =	seq.s32 s7, s2  }
0x1e: {  	s7 =	smul.u32 @!p0 $0xF7A, s2;
	p2 =	seq.s32 @!p0 s5, $0x0  }
0x1f: {  	s9 =	smul.u32 $0xF7A, s1;
	s8 =	simm.s32 @!p0 $0x1BF5;
	p2 =	por !p2, p0  }
0x20: {  	[sflag:s8] =	ssyncset.s32 @!p0 $0xFFFFF086;
	s6 =	sadd.s32 @!p0 s3, s7;
	s7 =	simm.s32 @!p0 $0x108  }
0x21: {  	s3 =	sadd.s32 s3, s9;
	s6 =	sadd.s32 @!p0 $0x88, s6;
	s7 =	simm.s32 @p2 $0x1082  }
0x22: {  	[simem:s7], [sflag:s8] =	dma.local @!p0 [hbm:s6], $0xF7A  }
0x23: {  	s9 =	sor.u32 $0xD0000000, s2;
	s6 =	simm.s32 $0x108;
	_ =	swait.ge @!p0 [sflag:s8], $0x0  }
0x24: {  	s3 =	sadd.s32 $0x88, s3;
	s6 =	simm.s32 @!p1 $0x1082;
	[sflag:s4] =	ssyncset.s32 $0xFFFFF086  }
0x25: {  	[simem:s6], [sflag:s4] =	dma.local [hbm:s3], $0xF7A  }
0x26: {  	[smem:$0x3FA0] =	sst s1;
	(tag) =	ssettag s2;
	_ =	strace s9  }
0x27: {  	s1 =	sld [smem:$0x3FB0]  }
0x28: {  	s2 =	sld [smem:$0x3FB1]  }
0x29: {  	s4 =	sld [smem:$0x3FB3]  }
0x2a: {  	p0 =	seq.s32 s5, $0x0;
	s5 =	sld [smem:$0x3FB4]  }
0x2b: {  	s6 =	sld [smem:$0x3FB5]  }
0x2c: {  	s7 =	sld [smem:$0x3FB6]  }
0x2d: {  	s3 =	simm.s32 $0x108;
	s8 =	sld [smem:$0x3FB7]  }
0x2e: {  	s3 =	simm.s32 @!p0 $0x1082;
	s9 =	sld [smem:$0x3FB8]  }
0x2f: {  	lr =	sadd.s32 s0, s3;
	s0 =	sld [smem:$0x3FAF]  }
0x30: {  	s3 =	sld [smem:$0x3FB2]  }
0x31: {  	[smem:$0x3FBB] =	sst s10  }
0x32: {  	s10 =	sld [smem:$0x3FB9];
	_ =	sdelay $0x3  }
0x33: {  	p0 =	seq.s32 s10, $0x1;
	s10 =	sld [smem:$0x3FBB];
	_ =	sdelay $0x3  }
0x34: {  	[smem:$0x3FBB] =	sst s10  }
0x35: {  	s10 =	sld [smem:$0x3FBA];
	_ =	sdelay $0x3  }
0x36: {  	p1 =	seq.s32 s10, $0x1;
	s10 =	sld [smem:$0x3FBB];
	_ =	sdelay $0x3  }
0x37: {  	[smem:$0x3FBB] =	sst s10  }
0x38: {  	s10 =	sld [smem:$0x3FBC]  }
0x39: {  	_ = 	snop;
	(pc) =	sbr.ind lr, $3  }
0x3a: {  	_ = 	snop  }
0x3b: {  	_ = 	snop  }
0x3c: {  	p2 =	seq.s32 s10, $0x1;
	s10 =	sld [smem:$0x3FBB]  }
0x3d: {  	_ =	shalt  }
0x3e: {  	_ =	shalt  }
0x3f: {  	_ =	shalt  }
0x40: {  	_ =	shalt  }
0x41: {  	_ =	shalt  }
0x42: {  	_ =	shalt  }
0x43: {  	_ =	shalt  }
0x44: {  	_ =	shalt  }
0x45: {  	_ =	shalt  }
0x46: {  	_ =	shalt  }
0x47: {  	_ =	shalt  }
0x48: {  	_ =	shalt  }
0x49: {  	_ =	shalt  }
0x4a: {  	_ =	shalt  }
0x4b: {  	_ =	shalt  }
0x4c: {  	_ =	shalt  }
0x4d: {  	_ =	shalt  }
0x4e: {  	_ =	shalt  }
0x4f: {  	_ =	shalt  }
0x50: {  	_ =	shalt  }
0x51: {  	_ =	shalt  }
0x52: {  	_ =	shalt  }
0x53: {  	_ =	shalt  }
0x54: {  	_ =	shalt  }
0x55: {  	_ =	shalt  }
0x56: {  	_ =	shalt  }
0x57: {  	_ =	shalt  }
0x58: {  	_ =	shalt  }
0x59: {  	_ =	shalt  }
0x5a: {  	_ =	shalt  }
0x5b: {  	_ =	shalt  }
0x5c: {  	_ =	shalt  }
0x5d: {  	_ =	shalt  }
0x5e: {  	_ =	shalt  }
0x5f: {  	_ =	shalt  }
0x60: {  	_ =	shalt  }
0x61: {  	_ =	shalt  }
0x62: {  	_ =	shalt  }
0x63: {  	_ =	shalt  }
0x64: {  	_ =	shalt  }
0x65: {  	_ =	shalt  }
0x66: {  	_ =	shalt  }
0x67: {  	_ =	shalt  }
0x68: {  	_ =	shalt  }
0x69: {  	_ =	shalt  }
0x6a: {  	_ =	shalt  }
0x6b: {  	_ =	shalt  }
0x6c: {  	_ =	shalt  }
0x6d: {  	_ =	shalt  }
0x6e: {  	_ =	shalt  }
0x6f: {  	_ =	shalt  }
0x70: {  	_ =	shalt  }
0x71: {  	_ =	shalt  }
0x72: {  	_ =	shalt  }
0x73: {  	_ =	shalt  }
0x74: {  	_ =	shalt  }
0x75: {  	_ =	shalt  }
0x76: {  	_ =	shalt  }
0x77: {  	_ =	shalt  }
0x78: {  	_ =	shalt  }
0x79: {  	_ =	shalt  }
0x7a: {  	_ =	shalt  }
0x7b: {  	_ =	shalt  }
0x7c: {  	_ =	shalt  }
0x7d: {  	_ =	shalt  }
0x7e: {  	_ =	shalt  }
0x7f: {  	_ =	shalt  }
0x80: {  	_ =	shalt  }
0x81: {  	_ =	shalt  }
0x82: {  	_ =	shalt  }
0x83: {  	_ =	shalt  }
0x84: {  	_ =	shalt  }
0x85: {  	_ =	shalt  }
0x86: {  	_ =	shalt  }
0x87: {  	_ =	shalt  }
.Lfunc_end0:
.L_simem_size_0:
called_computation_lowered:
.L_overlay_start_0:
0x88: {  	s2 =	sld [smem:$0x3FD9]  }
0x89: {  	s3 =	sld [smem:$0x3FFE];
	_ =	sdelay $0x1  }
0x8a: {  	s1 =	srdreg.scid  }
0x8b: {  	s0 =	sand.u32 $0x1, s1  }
0x8c: {  	s16 =	sshll.u32 s0, $0xA;
	s2 =	sadd.s32 s3, s2  }
0x8d: {  	s2 =	sadd.s32 s2, s16  }
0x8e: {  	[smem:$0x3FC7] =	sst s2  }
0x8f: {  	_ = 	snop  }
0x90: {  	(tm) =	ssettm $0x1  }
0x91: {  	s17 =	sld [smem:$0x3FFB];
	_ =	sdelay $0x3  }
0x92: {  	_ =	strace s17  }
0x93: {  	s2 =	sld [smem:$0x3FFC];
	_ =	sdelay $0x3  }
0x94: {  	_ =	strace s2  }
0x95: {  	s2 =	sld [smem:$0x3FFD];
	_ =	sdelay $0x3  }
0x96: {  	_ =	strace s2  }
0x97: {  	_ =	strace $0x8FFFFFFF  }
0x98: {  	s18 =	sld [smem:$0x3FDB];
	_ =	sdelay $0x1  }
0x99: {  	s19 =	simm.s32 $_scs_section_size  }
0x9a: {  	s4 =	simm.s32 $_size__tile_overlayer_lowered;
	s5 =	simm.s32 $_tile_overlayer_lowered  }
0x9b: {  	s22 =	simm.s32 $0x1BFF;
	s21 =	sshll.u32 s5, $0x1;
	s2 =	sadd.s32 s19, s18  }
0x9c: {  	s6 =	simm.s32 $0x0;
	s20 =	sshll.u32 s4, $0x1;
	s4 =	sadd.s32 s21, s2  }
0x9d: {  	[timem:s6], [sflag:s22] =	dma.local [hbm:s4], s20  }
0x9e: {  	_ =	swait.ge [sflag:s22], s20  }
0x9f: {  	s3 =	ssub.s32 $0x0, s20;
	[sflag:s22] =	ssyncset.done $0x0  }
0xa0: {  	[sflag:s22] =	ssyncadd.s32 s3;
	_ =	sdelay $0x1  }
0xa1: {  	s23 =	simm.s32 $0x1B8B  }
0xa2: {  	_ =	swait.ge [sflag:s23], $0x1  }
0xa3: {  	[sflag:s23] =	ssyncset.done $0x0  }
0xa4: {  	s25 =	simm.s32 $0x1B8E;
	s24 =	sld [smem:$0x3FFE];
	[sflag:s23] =	ssyncadd.s32 $0xFFFFFFFF  }
0xa5: {  	s26 =	simm.s32 $execute0_lowered;
	[smem:$0x3FD2] =	sst s25  }
0xa6: {  	s4 =	sshll.u32 s26, $0x1;
	_ =	strace $0x80000046;
	[dreg:$0x1] =	wrdreg $0xFFFFFFFF  }
0xa7: {  	s28 =	simm.s32 $_size_execute0_lowered;
	s2 =	sadd.s32 s2, s4;
	[dreg:$0x0] =	wrdreg $0x0  }
0xa8: {  	s4 =	sshll.u32 s28, $0x1;
	[dreg:$0x2] =	wrdreg s2  }
0xa9: {  	[dreg:$0x3] =	wrdreg s4  }
0xaa: {  	[dreg:$0x4] =	wrdreg $0xC0  }
0xab: {  	_ =	task [dreg:s6], $0x5FFFF  }
0xac: {  	[dreg:$0x1] =	wrdreg $0xFFFFFFFF  }
0xad: {  	[dreg:$0x0] =	wrdreg $0x60  }
0xae: {  	[dreg:$0x2] =	wrdreg s24  }
0xaf: {  	[dreg:$0x3] =	wrdreg $0x9  }
0xb0: {  	_ =	task.clear_ibuf [dreg:s6], $0x4FFFF;
	_ =	strace $0x90000046  }
0xb1: {  	s29 =	simm.s32 $0x9;
	_ =	strace $0x80000048  }
0xb2: {  	_ =	swait.ge [sflag:s29], $0x1  }
0xb3: {  	[sflag:s29] =	ssyncadd.s32 $0xFFFFFFFF  }
0xb4: {  	_ =	strace $0x90000048  }
0xb5: {  	_ =	sfence  }
0xb6: {  	s30 =	sld [smem:$0x0];
	_ =	sdelay $0x2  }
0xb7: {  	s31 =	sshll.u32 s1, $0xD;
	s1 =	sshrl.u32 s1, $0x2  }
0xb8: {  	s3 =	sand.u32 $0x4000, s31;
	s1 =	sadd.s32 s1, s30  }
0xb9: {  	s0 =	sor.u32 s3, s0;
	s1 =	sshll.u32 s1, $0x11  }
0xba: {  	s0 =	sor.u32 s1, s0  }
0xbb: {  	s0 =	sadd.s32 $0x8F2B, s0  }
0xbc: {  	[sflag:s0] =	ssyncadd.remote.s32 $0x1  }
0xbd: {  	_ =	sfence.sel $0xFFFF  }
0xbe: {  	[dreg:$0x0] =	wrdreg $0xFFFFFFFF;
	(pc) =	sbr.abs _section_cstart, $3  }
0xbf: {  	[dreg:$0x1] =	wrdreg $0xFFFFFFFF  }
0xc0: {  	_ =	task.clear_ibuf [dreg:s6], $0x2FFFF;
	_ =	strace $0x9FFFFFFF  }
0xc1: {  	(tm) =	ssettm $0x7FFFFFFF  }
tec
execute0_lowered:
.L_overlay_start_1:
0x0: {  	(tag) =	ssettag $0x1  }
0x1: {  	s3 =	rddreg [dreg:$0x0]  }
0x2: {  	s0 =	rddreg [dreg:$0x1];
	s4 =	srdreg.scid  }
0x3: {  	s2 =	simm.s32 $0x0;
	s1 =	stileid.u32;
	s4 =	sand.u32 $0x1, s4  }
0x4: {  	s7 =	simm.s32 $0x10000;
	s5 =	sshll.u32 s1, $0xE;
	s6 =	sshll.u32 s4, $0xD  }
0x5: {  	s8 =	simm.s32 $0x0;
	s4 =	ssub.s32 $0x2, s4;
	s5 =	sor.u32 s6, s5  }
0x6: {  	[smem:$0x7FF] =	sst s2;
	s31 =	sshrl.u32 s4, $0x1;
	s5 =	sadd.s32 s5, s3  }
0x7: {  	_ =	strace $0x80000047;
	s6 =	ssub.s32 s4, s31;
	s3 =	sadd.s32 $0x400, s5  }
0x8: {  	vm0 =	vmxor vm0, vm0;
	vm1 =	vmmov $0x1;
	v0 =	vimm.s32 $0x0;
	s4 =	sadd.s32 $0x40400, s5;
	s5 =	smax.u32 s6, $0x1;
	s6 =	simm.s32 $0x1  }
.LBB2_1:
0x9: {  	[tilespmem:s2], [sflag:$0x1] =	stream.linear.gather [hbm4b:s3+s2], $0x400, $0x38;
	v63 =	vld [tilespmem:$0x0]  }
0xa: {  	_ =	swait.ge [sflag:s6], $0x400  }
0xb: {  	[sflag:s6] =	ssyncset.done $0x0  }
0xc: {  	s12 =	simm.s32 $0x0;
	[sflag:s6] =	ssyncadd.s32 $0xFFFFFC00  }
0xd: {  	v7 =	vld [tilespmem:s12+$0x0]  }
0xe: {  	v1 =	vld [tilespmem:s12+$0x10]  }
0xf: {  	v3 =	vld [tilespmem:s12+$0x20]  }
0x10: {  	v4 =	vld [tilespmem:s12+$0x30];
	_ =	sdelay $0x4  }
0x11: {  	v6 =	vmax.f32 v7, v1;
	v8 =	vmax.f32 v3, v4  }
0x12: {  	s10 =	simm.s32 $0x80;
	vm2 =	vgt.f32 v1, $0.0e+00;
	v1 =	vmax.f32 v6, v8  }
0x13: {  	v2 =	vld [tilespmem:s10+$0x0];
	(xrf0) =	vmax.scan.msk.f32 $0xffff, v1  }
0x14: {  	v5 =	vld [tilespmem:s10+$0x10];
	vm3 =	vgt.f32 v3, $0.0e+00  }
0x15: {  	v9 =	vld [tilespmem:s10+$0x20];
	v3 =	vsel vm3, $0x1, v0;
	v1 =	vsel vm2, $0x1, v0;
	vm2 =	vgt.f32 v4, $0.0e+00  }
0x16: {  	v6 =	vld [tilespmem:s10+$0x30];
	[tilespmem:s12+$0x10020] =	vst v3;
	v3 =	vsel vm2, $0x1, v0;
	_ =	sdelay $0x1  }
0x17: {  	s9 =	simm.s32 $0x100;
	[tilespmem:s12+$0x10010] =	vst v1  }
0x18: {  	v1 =	vld [tilespmem:s9+$0x0];
	[tilespmem:s12+$0x10030] =	vst v3;
	v3, _, _ =	vpop (xrf0)  }
0x19: {  	(v2sf) =	vpush v3, $0xF;
	_ =	sdelay $0x1  }
0x1a: {  	vm3 =	vgt.f32 v9, $0.0e+00;
	v4 =	vld [tilespmem:s9+$0x10]  }
0x1b: {  	v11 =	vsel vm3, $0x1, v0;
	vm2 =	vgt.f32 v5, $0.0e+00;
	v8 =	vld [tilespmem:s9+$0x20]  }
0x1c: {  	v10 =	vld [tilespmem:s9+$0x30];
	[tilespmem:s10+$0x10020] =	vst v11;
	v3 =	vsel vm2, $0x1, v0;
	vm2 =	vgt.f32 v6, $0.0e+00  }
0x1d: {  	s11 =	simm.s32 $0x180;
	[tilespmem:s10+$0x10010] =	vst v3;
	v11 =	vsel vm2, $0x1, v0  }
0x1e: {  	v5 =	vmax.f32 v2, v5;
	v6 =	vmax.f32 v9, v6;
	v3 =	vld [tilespmem:s11+$0x0];
	[tilespmem:s10+$0x10030] =	vst v11  }
0x1f: {  	v5 =	vmax.f32 v5, v6;
	v11 =	vld [tilespmem:s11+$0x10]  }
0x20: {  	(xrf0) =	vmax.scan.msk.f32 $0xffff, v5;
	v9 =	vld [tilespmem:s11+$0x20]  }
0x21: {  	v12 =	vld [tilespmem:s11+$0x30]  }
0x22: {  	vm2 =	vgt.f32 v4, $0.0e+00;
	vm3 =	vgt.f32 v8, $0.0e+00  }
0x23: {  	v4 =	vmax.f32 v1, v4;
	v8 =	vmax.f32 v8, v10;
	v6 =	vsel vm2, $0x1, v0  }
0x24: {  	v4 =	vmax.f32 v4, v8;
	vm2 =	vgt.f32 v10, $0.0e+00;
	[tilespmem:s9+$0x10010] =	vst v6;
	v6 =	vsel vm3, $0x1, v0  }
0x25: {  	s13 =	simm.s32 $0x200;
	(xrf0) =	vmax.scan.msk.f32 $0xffff, v4;
	v5 =	vsel vm2, $0x1, v0;
	[tilespmem:s9+$0x10020] =	vst v6  }
0x26: {  	v4 =	vld [tilespmem:s13+$0x0];
	[tilespmem:s9+$0x10030] =	vst v5;
	v5 =	vmax.f32 v3, v11;
	v6 =	vmax.f32 v9, v12;
	vm3 =	vgt.f32 v9, $0.0e+00;
	v9, _, _ =	vpop (xrf0)  }
0x27: {  	vm2 =	vgt.f32 v11, $0.0e+00;
	v5 =	vmax.f32 v5, v6;
	s14 =	spop (v2sf);
	(v2sf) =	vpush v9, $0xF  }
0x28: {  	(xrf0) =	vmax.scan.msk.f32 $0xffff, v5;
	v5 =	vsel vm2, $0x1, v0  }
0x29: {  	v8 =	vld [tilespmem:s13+$0x10]  }
0x2a: {  	v10 =	vld [tilespmem:s13+$0x20]  }
0x2b: {  	v6 =	vld [tilespmem:s13+$0x30];
	[tilespmem:s11+$0x10010] =	vst v5;
	v5, _, _ =	vpop (xrf0)  }
0x2c: {  	(v2sf) =	vpush v5, $0xF;
	_ =	sdelay $0x3  }
0x2d: {  	v11 =	vsel vm3, $0x1, v0;
	vm2 =	vgt.f32 v12, $0.0e+00;
	p0 =	sle.f32 s14, $0.0e+00  }
0x2e: {  	vm4 =	vmmov vm0;
	vm5 =	vgt.f32 v7, $0.0e+00;
	[tilespmem:s11+$0x10020] =	vst v11;
	v9 =	vsel vm2, $0x1, v0;
	s14 =	simm.s32 $0x280  }
0x2f: {  	vm3 =	vgt.f32 v10, $0.0e+00;
	v10 =	vmax.f32 v10, v6;
	v5 =	vld [tilespmem:s14+$0x0];
	[tilespmem:s11+$0x10030] =	vst v9;
	vm4 =	vmneg @p0 vm4  }
0x30: {  	vm2 =	vgt.f32 v8, $0.0e+00;
	v9 =	vmax.f32 v4, v8;
	v7 =	vld [tilespmem:s14+$0x10];
	vm4 =	vmand vm4, vm1  }
0x31: {  	s15 =	simm.s32 $0xC00;
	v11, _, _ =	vpop (xrf0);
	v8 =	vld [tilespmem:s14+$0x20];
	v12 =	vmax.f32 v9, v10;
	v9 =	vsel vm5, $0x1, v0;
	v10 =	vsel vm4, $0x1, v0  }
.LBB2_2:
0x32: {  	p0 =	sne.s32 s15, $0xE00;
	vm4 =	vgt.f32 v6, $0.0e+00;
	v6 =	vld [tilespmem:s14+$0x30];
	(xrf0) =	vmax.scan.msk.f32 $0xffff, v12;
	(v2sf) =	vpush v11, $0xF;
	v13 =	vadd.s32 v9, v10  }
0x33: {  	v10 =	vsel vm2, $0x1, v0;
	v11 =	vsel vm3, $0x1, v0;
	v12 =	vsel vm4, $0x1, v0;
	s16 =	spop (v2sf);
	[tilespmem:s12+$0x10000] =	vst v13;
	s12 =	smov.u32 s10;
	s10 =	smov.u32 s9  }
.Ltmp0:
0x34: {  	s9 =	smov.u32 s11;
	[tilespmem:s13+$0x10010] =	vst v10;
	p1 =	sle.f32 s16, $0.0e+00;
	v9 =	vmov v5;
	(pc) =	sbr.rel @p0 .LBB2_2-.Ltmp0, $4  }
0x35: {  	vm5 =	vmmov vm0;
	s11 =	smov.u32 s13;
	vm2 =	vgt.f32 v7, $0.0e+00;
	[tilespmem:s13+$0x10020] =	vst v11;
	s13 =	smov.u32 s14;
	s14 =	sshra.s32 s15, $0x2  }
0x36: {  	vm4 =	vgt.f32 v2, $0.0e+00;
	v2 =	vmovc v1;
	v1 =	vmovc v3;
	v5 =	vld [tilespmem:s14+$0x0];
	vm3 =	vgt.f32 v8, $0.0e+00;
	[tilespmem:s11+$0x10030] =	vst v12;
	vm5 =	vmneg @p1 vm5  }
0x37: {  	v3 =	vmovc v4;
	v10 =	vmax.f32 v9, v7;
	v4 =	vmovc v9;
	v7 =	vld [tilespmem:s14+$0x10];
	v13 =	vmax.f32 v8, v6;
	vm5 =	vmand vm5, vm1  }
0x38: {  	s15 =	sadd.s32 $0x200, s15;
	v9 =	vsel vm4, $0x1, v0;
	v8 =	vld [tilespmem:s14+$0x20];
	v12 =	vmax.f32 v10, v13;
	v11, _, _ =	vpop (xrf0);
	v10 =	vsel vm5, $0x1, v0  }
0x39: {  	v13 =	vld [tilespmem:s14+$0x30];
	_ =	sdelay $0x4  }
0x3a: {  	(xrf0) =	vmax.scan.msk.f32 $0xffff, v12;
	v51 =	vmax.f32 v5, v7;
	v14 =	vmax.f32 v8, v13  }
0x3b: {  	v12 =	vmax.f32 v51, v14  }
0x3c: {  	(xrf0) =	vmax.scan.msk.f32 $0xffff, v12;
	_ =	sdelay $0x2  }
0x3d: {  	(v2sf) =	vpush v11, $0xF  }
0x3e: {  	v52, _, _ =	vpop (xrf0)  }
0x3f: {  	(v2sf) =	vpush v52, $0xF  }
0x40: {  	v53, _, _ =	vpop (xrf0)  }
0x41: {  	(v2sf) =	vpush v53, $0xF;
	_ =	sdelay $0x5  }
0x42: {  	s15 =	spop (v2sf);
	vm4 =	vgt.f32 v6, $0.0e+00;
	v54 =	vadd.s32 v9, v10;
	v55 =	vsel vm2, $0x1, v0  }
0x43: {  	v56 =	vsel vm3, $0x1, v0;
	vm2 =	vmmov vm0;
	vm5 =	vgt.f32 v2, $0.0e+00;
	p0 =	sle.f32 s15, $0.0e+00  }
0x44: {  	v57 =	vsel vm4, $0x1, v0;
	v2 =	vsel vm5, $0x1, v0;
	vm5 =	vmmov vm0  }
0x45: {  	vm4 =	vmmov vm0;
	vm3 =	vgt.f32 v7, $0.0e+00;
	vm2 =	vmneg @p0 vm2;
	s28 =	spop (v2sf)  }
0x46: {  	vm14 =	vgt.f32 v8, $0.0e+00;
	vm2 =	vmand vm2, vm1;
	v59 =	vsel vm3, $0x1, v0;
	p0 =	sle.f32 s28, $0.0e+00  }
0x47: {  	[tilespmem:s12+$0x10000] =	vst v54;
	vm3 =	vmmov vm0;
	v58 =	vsel vm2, $0x1, v0;
	vm2 =	vgt.f32 v13, $0.0e+00;
	s29 =	spop (v2sf)  }
0x48: {  	[tilespmem:s13+$0x10010] =	vst v55;
	v61 =	vsel vm2, $0x1, v0;
	vm2 =	vgt.f32 v1, $0.0e+00;
	vm5 =	vmneg @p0 vm5;
	p0 =	sle.f32 s29, $0.0e+00  }
0x49: {  	[tilespmem:s13+$0x10020] =	vst v56;
	v60 =	vsel vm14, $0x1, v0;
	v1 =	vsel vm2, $0x1, v0;
	vm2 =	vgt.f32 v3, $0.0e+00;
	s30 =	spop (v2sf)  }
0x4a: {  	[tilespmem:s13+$0x10030] =	vst v57;
	v2 =	vadd.s32 v2, v58;
	v3 =	vsel vm2, $0x1, v0;
	vm3 =	vmneg @p0 vm3;
	p0 =	sle.f32 s30, $0.0e+00  }
0x4b: {  	[tilespmem:s10+$0x10000] =	vst v2;
	vm2 =	vgt.f32 v4, $0.0e+00;
	vm15 =	vmand vm5, vm1;
	vm3 =	vmand vm3, vm1;
	s31 =	spop (v2sf)  }
0x4c: {  	[tilespmem:s14+$0x10010] =	vst v59;
	v2 =	vsel vm15, $0x1, v0;
	v62 =	vsel vm3, $0x1, v0;
	vm4 =	vmneg @p0 vm4;
	p0 =	sle.f32 s31, $0.0e+00  }
0x4d: {  	[tilespmem:s14+$0x10020] =	vst v60;
	v1 =	vadd.s32 v1, v2;
	vm3 =	vmmov vm0;
	v2 =	vadd.s32 v3, v62  }
0x4e: {  	[tilespmem:s14+$0x10030] =	vst v61;
	v3 =	vsel vm2, $0x1, v0;
	vm4 =	vmand vm4, vm1;
	vm3 =	vmneg @p0 vm3  }
0x4f: {  	[tilespmem:s9+$0x10000] =	vst v1;
	vm2 =	vgt.f32 v5, $0.0e+00;
	v1 =	vsel vm4, $0x1, v0;
	vm3 =	vmand vm3, vm1  }
0x50: {  	s8 =	sadd.s32 $0x1, s8;
	[tilespmem:s11+$0x10000] =	vst v2;
	v2 =	vsel vm2, $0x1, v0;
	v1 =	vadd.s32 v3, v1;
	v3 =	vsel vm3, $0x1, v0  }
0x51: {  	[tilespmem:s13+$0x10000] =	vst v1;
	p0 =	sne.s32 s8, s5;
	v1 =	vadd.s32 v2, v3  }
.Ltmp1:
0x52: {  	[tilespmem:s14+$0x10000] =	vst v1;
	(pc) =	sbr.rel @p0 .LBB2_1-.Ltmp1, $4  }
0x53: {  	[hbm4b:s4+s2] =	stream.linear.scatter [tilespmem:s7], [sflag:$0x1], $0x400, $0x38;
	v63 =	vld [tilespmem:$0x0]  }
0x54: {  	_ =	swait.ge [sflag:s6], $0x400  }
0x55: {  	[sflag:s6] =	ssyncset.done $0x0  }
0x56: {  	[sflag:s6] =	ssyncadd.s32 $0xFFFFFC00  }
0x57: {  	_ =	sfence.sel $0x180000  }
0x58: {  	[bflag:$0x0] =	sbarrier.arrive $0xFFFF  }
0x59: {  	p0 =	sne.s32 s1, $0x0;
	_ =	strace $0x90000047  }
0x5a: {  	s0 =	sadd.s32 @!p0 $0x100000, s0;
	[bflag:$0x2] =	sbarrier.arrive $0xFFFF  }
0x5b: {  	[sflag:s0] =	ssyncadd.tile.s32 @!p0 $0x1;
	_ =	shalt  }
.Lfunc_end2:
_tile_overlayer_lowered:
.L_overlay_start_2:
0x5c: {  	(tag) =	ssettag $0x2  }
0x5d: {  	s0 =	rddreg [dreg:$0x0];
	s2 =	stileid.u32  }
0x5e: {  	s1 =	rddreg [dreg:$0x1];
	p0 =	sne.s32 s2, $0x0  }
0x5f: {  	s3 =	rddreg [dreg:$0x2];
	[bflag:$0x3] =	sbarrier.arrive $0xFFFF;
	s2 =	simm.s32 @!p0 $0x1C01  }
0x60: {  	[timem:s3], [sflag:s2] =	dma.local @!p0 [hbm:s0], s1  }
0x61: {  	s0 =	simm.s32 @!p0 $0x1  }
0x62: {  	_ =	swait.ge @!p0 [sflag:s0], s1  }
0x63: {  	s1 =	ssub.s32 @!p0 $0x0, s1;
	[sflag:s0] =	ssyncset.done @!p0 $0x0  }
0x64: {  	[sflag:s0] =	ssyncadd.s32 @!p0 s1  }
0x65: {  	[bflag:$0x3] =	sbarrier.arrive $0xFFFF  }
0x66: {  	_ =	shalt  }

</sc_bundles>
